<compile_context>
chip_gen: v7x
topology: tpu7x:2x2x1
jax: 0.10.2.dev20260603
libtpu: 0.0.44.dev20260713+nightly
codegen_flags: <defaults>
</compile_context>

<pallas_src>
import functools

import jax
import jax.numpy as jnp
from jax import lax
from jax.experimental import pallas as pl
from jax.experimental.pallas import tpu as pltpu
from jax.experimental.pallas import tpu_sc as plsc

TAU = 2.0
GAMMA = 0.7
EPS = 0.05
KS = 1000
KT = 100000
B = 1024

NUM_CORES = 2
NUM_SUBCORES = 16
NUM_WORKERS = NUM_CORES * NUM_SUBCORES
LANES = 16
NVEC = (KS + LANES - 1) // LANES
OUT_ROWS = 1024
J_PER_WORKER = OUT_ROWS // NUM_WORKERS


def _sc_gather_t(teacher_t, t_idx, s_idx):
    mesh = plsc.VectorSubcoreMesh(
        core_axis_name="c", subcore_axis_name="s",
        num_cores=NUM_CORES, num_subcores=NUM_SUBCORES)

    @functools.partial(
        pl.kernel,
        out_type=jax.ShapeDtypeStruct((OUT_ROWS, B), jnp.float32),
        mesh=mesh,
        scratch_types=[
            pltpu.VMEM((KS,), jnp.int32),
            pltpu.VMEM((KS,), jnp.int32),
            pltpu.VMEM((OUT_ROWS,), jnp.int32),
            pltpu.VMEM((J_PER_WORKER, B), jnp.float32),
            pltpu.SemaphoreType.DMA,
            pltpu.SemaphoreType.DMA,
        ],
        compiler_params=pltpu.CompilerParams(needs_layout_passes=False),
    )
    def k(teacher_hbm, tidx_hbm, sidx_hbm, out_hbm, tv, sv, cv, slab, sem,
          sem2):
        wid = lax.axis_index("s") * NUM_CORES + lax.axis_index("c")
        pltpu.async_copy(tidx_hbm, tv, sem)
        pltpu.async_copy(sidx_hbm, sv, sem2)
        pltpu.make_async_copy(tidx_hbm, tv, sem).wait()
        pltpu.make_async_copy(sidx_hbm, sv, sem2).wait()

        pad = jnp.zeros((LANES,), jnp.int32)
        cv[pl.ds(OUT_ROWS - 2 * LANES, LANES)] = pad
        cv[pl.ds(OUT_ROWS - LANES, LANES)] = pad

        def comp(j, carry):
            off = jnp.minimum(j * LANES, KS - LANES)
            plsc.store_scatter(
                cv, [sv[pl.ds(off, LANES)]], tv[pl.ds(off, LANES)])
            return carry
        lax.fori_loop(0, NVEC, comp, 0)

        j0 = wid * J_PER_WORKER
        half = J_PER_WORKER // 2

        g0 = pltpu.async_copy(
            teacher_hbm.at[cv.at[pl.ds(j0, half)]],
            slab.at[pl.ds(0, half), :], sem)
        g1 = pltpu.async_copy(
            teacher_hbm.at[cv.at[pl.ds(j0 + half, half)]],
            slab.at[pl.ds(half, half), :], sem2)
        g0.wait()
        w0 = pltpu.async_copy(
            slab.at[pl.ds(0, half), :], out_hbm.at[pl.ds(j0, half), :], sem)
        g1.wait()
        w1 = pltpu.async_copy(
            slab.at[pl.ds(half, half), :],
            out_hbm.at[pl.ds(j0 + half, half), :], sem2)
        w0.wait()
        w1.wait()

    return k(teacher_t, t_idx, s_idx)


_BBT = 256


def _tc_body(g_ref, s_ref, loss_ref, c_ref, w_ref):
    g = g_ref[...] * (1.0 / TAU)
    m = jnp.max(g, axis=0, keepdims=True)
    e = jnp.exp(g - m)
    p = e / jnp.sum(e, axis=0, keepdims=True)
    q = (1.0 - EPS) * p + (EPS / KS)

    st = s_ref[...] * (1.0 / TAU)
    ms = jnp.max(st, axis=0, keepdims=True)
    es = jnp.exp(st - ms)
    msl = ms + jnp.log(jnp.sum(es, axis=0, keepdims=True))

    qc = jnp.maximum(q, 1e-12)
    kl = (jnp.sum(qc * jnp.log(qc), axis=0, keepdims=True)
          - jnp.sum(qc * st, axis=0, keepdims=True)
          + msl * jnp.sum(qc, axis=0, keepdims=True))
    c = jnp.max(q, axis=0, keepdims=True)
    w = jnp.clip((c - GAMMA) / (1.0 - GAMMA), 0.0, 1.0)
    c_ref[...] = c
    w_ref[...] = w

    part = jnp.sum(w * (TAU * TAU) * kl) * (1.0 / B)
    i = pl.program_id(0)

    @pl.when(i == 0)
    def _():
        loss_ref[...] = part[None, None]

    @pl.when(i != 0)
    def _():
        loss_ref[...] += part[None, None]


def _tc_loss(g_t, student_t, interpret=False):
    return pl.pallas_call(
        _tc_body,
        grid=(B // _BBT,),
        in_specs=[
            pl.BlockSpec((KS, _BBT), lambda i: (0, i)),
            pl.BlockSpec((KS, _BBT), lambda i: (0, i)),
        ],
        out_specs=[
            pl.BlockSpec((1, 1), lambda i: (0, 0)),
            pl.BlockSpec((1, _BBT), lambda i: (0, i)),
            pl.BlockSpec((1, _BBT), lambda i: (0, i)),
        ],
        out_shape=[
            jax.ShapeDtypeStruct((1, 1), jnp.float32),
            jax.ShapeDtypeStruct((1, B), jnp.float32),
            jax.ShapeDtypeStruct((1, B), jnp.float32),
        ],
        interpret=interpret,
    )(g_t, student_t)


def kernel(teacher_logits_w, student_logits_s, t_idx, s_idx):
    t_idx = jnp.asarray(t_idx, jnp.int32)
    s_idx = jnp.asarray(s_idx, jnp.int32)
    g_t = _sc_gather_t(teacher_logits_w.T, t_idx, s_idx)
    loss2, c2, w2 = _tc_loss(g_t, student_logits_s.T)
    return (loss2[0, 0],
            jax.lax.stop_gradient(c2[0]),
            jax.lax.stop_gradient(w2[0]))

# --- scband reference (transcript-rebuilt; emitter-appended) ---
"""Pipeline reference for scband-cross-dataset-kdd-5368709120122 (READ-ONLY COPY).

The authoritative reference and input builder live on the scoring server;
editing this copy changes nothing except your own understanding.
"""

import jax, jax.numpy as jnp
import numpy as np

TAU = 2.0
GAMMA = 0.7
EPS = 0.05
KS = 1000
KT = 100000
B = 1024


def setup_inputs(seed: int = 0) -> dict:
    key = jax.random.key(seed)
    k1, k2 = jax.random.split(key)
    teacher_logits_w = jax.random.normal(k1, (B, KT), dtype=jnp.float32)
    student_logits_s = jax.random.normal(k2, (B, KS), dtype=jnp.float32)
    # ClassProjector internals: teacher_to_student = {i*100: i for i in range(KS)}
    # sorted by student index -> t_idx = [0, 100, 200, ...], s_idx = [0, 1, 2, ...]
    t_idx = jnp.arange(KS, dtype=jnp.int64 if jax.config.jax_enable_x64 else jnp.int32) * 100
    s_idx = jnp.arange(KS, dtype=jnp.int64 if jax.config.jax_enable_x64 else jnp.int32)
    return {"teacher_logits_w": teacher_logits_w, "student_logits_s": student_logits_s,
            "t_idx": t_idx, "s_idx": s_idx}


def reference(teacher_logits_w, student_logits_s, t_idx, s_idx):
    # softmax_temp(teacher_logits_w, tau)
    p_t = jax.nn.softmax(teacher_logits_w / TAU, axis=-1)
    # ClassProjector.project_probs: zeros -> index_copy_ (scatter-set) of index_select (gather)
    out = jnp.zeros((p_t.shape[0], KS), dtype=p_t.dtype)
    gathered = jnp.take(p_t, t_idx, axis=-1)          # index_select
    out = out.at[:, s_idx].set(gathered)              # index_copy_
    z = jnp.clip(jnp.sum(out, axis=-1, keepdims=True), 1e-12, None)
    p_t = out / z
    # smooth_distribution
    p_t = (1.0 - EPS) * p_t + EPS * (1.0 / float(KS))
    # student softmax
    p_s = jax.nn.softmax(student_logits_s / TAU, axis=-1)
    # kl_teacher_student: F.kl_div(log p_s_clamped, p_t_clamped, reduction='none').sum(-1)
    pt_c = jnp.clip(p_t, 1e-12, None)
    ps_c = jnp.clip(p_s, 1e-12, None)
    kl = jnp.sum(pt_c * (jnp.log(pt_c) - jnp.log(ps_c)), axis=-1)
    # confidence and confidence weight
    c = jnp.max(p_t, axis=-1)
    denom = max(1e-12, 1.0 - GAMMA)
    w = jnp.clip((c - GAMMA) / denom, 0.0, 1.0)
    loss = jnp.mean(w * (TAU * TAU) * kl)
    return (loss, jax.lax.stop_gradient(c), jax.lax.stop_gradient(w))

if __name__ == "__main__":
    import jax
    _d = setup_inputs()
    print(jax.jit(kernel)(*tuple(_d.values())))

</pallas_src>

<mosaic_0001>
#map = affine_map<(d0, d1) -> (0, 0)>
#map1 = affine_map<(d0, d1) -> (0)>
module attributes {stable_mosaic.version = 14 : i64} {
  func.func @k(%arg0: i32, %arg1: i32, %arg2: memref<100000x1024xf32, #tpu.memory_space<hbm>>, %arg3: memref<1000xi32, #tpu.memory_space<hbm>>, %arg4: memref<1000xi32, #tpu.memory_space<hbm>>, %arg5: memref<1024x1024xf32, #tpu.memory_space<hbm>>, %arg6: memref<1000xi32, #tpu.memory_space<vmem>>, %arg7: memref<1000xi32, #tpu.memory_space<vmem>>, %arg8: memref<1024xi32, #tpu.memory_space<vmem>>, %arg9: memref<32x1024xf32, #tpu.memory_space<vmem>>, %arg10: memref<!tpu.dma_semaphore, #tpu.memory_space<semaphore_mem>>, %arg11: memref<!tpu.dma_semaphore, #tpu.memory_space<semaphore_mem>>) attributes {dimension_semantics = [#tpu.dimension_semantics<core_parallel>, #tpu.dimension_semantics<subcore_parallel>], iteration_bounds = array<i64: 2, 16>, scalar_prefetch = 0 : i64, scratch_operands = 6 : i64, tpu.core_type = #tpu.core_type<sc_vector_subcore>, window_params = [{transform_indices = #map}, {transform_indices = #map1}, {transform_indices = #map1}, {transform_indices = #map}]} {
    %mul3A = arith.constant 2 : i32
    %mul3A_0 = arith.muli %arg1, %mul3A : i32
    %add3A = arith.addi %mul3A_0, %arg0 : i32
    tpu.enqueue_dma source(%arg3 : memref<1000xi32, #tpu.memory_space<hbm>>) target(%arg6 : memref<1000xi32, #tpu.memory_space<vmem>>) target_semaphore(%arg10 : memref<!tpu.dma_semaphore, #tpu.memory_space<semaphore_mem>>)
    tpu.enqueue_dma source(%arg4 : memref<1000xi32, #tpu.memory_space<hbm>>) target(%arg7 : memref<1000xi32, #tpu.memory_space<vmem>>) target_semaphore(%arg11 : memref<!tpu.dma_semaphore, #tpu.memory_space<semaphore_mem>>)
    tpu.wait_dma2 semaphore(%arg10 : memref<!tpu.dma_semaphore, #tpu.memory_space<semaphore_mem>>) src(%arg3 : memref<1000xi32, #tpu.memory_space<hbm>>) dst(%arg6 : memref<1000xi32, #tpu.memory_space<vmem>>)
    tpu.wait_dma2 semaphore(%arg11 : memref<!tpu.dma_semaphore, #tpu.memory_space<semaphore_mem>>) src(%arg4 : memref<1000xi32, #tpu.memory_space<hbm>>) dst(%arg7 : memref<1000xi32, #tpu.memory_space<vmem>>)
    %broadcast_in_dim3A = arith.constant 0 : i32
    %broadcast_in_dim3A_1 = vector.broadcast %broadcast_in_dim3A : i32 to vector<16xi32>
    %swap3A = arith.constant 992 : index
    %swap3A_2 = tpu.vector_load %arg8[%swap3A] {strides = array<i32>} : memref<1024xi32, #tpu.memory_space<vmem>>, vector<16xi32>,
    tpu.vector_store %arg8[%swap3A], %broadcast_in_dim3A_1 {strides = array<i32>} : memref<1024xi32, #tpu.memory_space<vmem>>, vector<16xi32>,
    %swap3A_3 = arith.constant 1008 : index
    %swap3A_4 = tpu.vector_load %arg8[%swap3A_3] {strides = array<i32>} : memref<1024xi32, #tpu.memory_space<vmem>>, vector<16xi32>,
    tpu.vector_store %arg8[%swap3A_3], %broadcast_in_dim3A_1 {strides = array<i32>} : memref<1024xi32, #tpu.memory_space<vmem>>, vector<16xi32>,
    %scan3A = arith.constant 0 : i32
    %scan3A_5 = arith.constant 0 : i32
    %scan3A_6 = arith.constant 63 : i32
    %scan3A_7 = arith.addi %scan3A_5, %scan3A_6 : i32
    %scan3A_8 = arith.constant 1 : i32
    scf.for %scan3A_82 = %scan3A_5 to %scan3A_7 step %scan3A_8  : i32 {
      %mul3A_83 = arith.constant 16 : i32
      %mul3A_84 = arith.muli %scan3A_82, %mul3A_83 : i32
      %min3A = arith.constant 984 : i32
      %min3A_85 = arith.minsi %mul3A_84, %min3A : i32
      %get3A = arith.index_cast %min3A_85 : i32 to index
      %get3A_86 = tpu.vector_load %arg7[%get3A] {strides = array<i32>} : memref<1000xi32, #tpu.memory_space<vmem>>, vector<16xi32>,
      %get3A_87 = arith.index_cast %min3A_85 : i32 to index
      %get3A_88 = tpu.vector_load %arg6[%get3A_87] {strides = array<i32>} : memref<1000xi32, #tpu.memory_space<vmem>>, vector<16xi32>,
      tpu.vector_store_idx %arg8[%get3A_86], %get3A_88 : memref<1024xi32, #tpu.memory_space<vmem>>[vector<16xi32>], vector<16xi32>,
    }
    %scan3A_9 = arith.constant 63 : i32
    %mul3A_10 = arith.constant 32 : i32
    %mul3A_11 = arith.muli %add3A, %mul3A_10 : i32
    %dma_start3A = arith.constant 0 : i32
    %dma_start3A_12 = arith.constant 0 : i32
    %dma_start3A_13 = tpu.memref_slice %arg9[%dma_start3A, %dma_start3A_12] : memref<32x1024xf32, #tpu.memory_space<vmem>> -> memref<16x1024xf32, #tpu.memory_space<vmem>>
    %dma_start3A_14 = tpu.memref_slice %arg8[%mul3A_11] : memref<1024xi32, #tpu.memory_space<vmem>> -> memref<16xi32, #tpu.memory_space<vmem>>
    %dma_start3A_15 = arith.constant 0 : i32
    %dma_start3A_16 = arith.constant 0 : i32
    %dma_start3A_17 = tpu.memref_slice %arg2[%dma_start3A_15, %dma_start3A_16] : memref<100000x1024xf32, #tpu.memory_space<hbm>> -> memref<100000x1024xf32, #tpu.memory_space<hbm>>
    tpu.enqueue_indirect_dma source(%dma_start3A_17 : memref<100000x1024xf32, #tpu.memory_space<hbm>>) target(%dma_start3A_13 : memref<16x1024xf32, #tpu.memory_space<vmem>>) offsets(%dma_start3A_14 : memref<16xi32, #tpu.memory_space<vmem>>) semaphore(%arg10 : memref<!tpu.dma_semaphore, #tpu.memory_space<semaphore_mem>>)
    %add3A_18 = arith.constant 16 : i32
    %add3A_19 = arith.addi %mul3A_11, %add3A_18 : i32
    %dma_start3A_20 = arith.constant 16 : i32
    %dma_start3A_21 = arith.constant 0 : i32
    %dma_start3A_22 = tpu.memref_slice %arg9[%dma_start3A_20, %dma_start3A_21] : memref<32x1024xf32, #tpu.memory_space<vmem>> -> memref<16x1024xf32, #tpu.memory_space<vmem>>
    %dma_start3A_23 = tpu.memref_slice %arg8[%add3A_19] : memref<1024xi32, #tpu.memory_space<vmem>> -> memref<16xi32, #tpu.memory_space<vmem>>
    %dma_start3A_24 = arith.constant 0 : i32
    %dma_start3A_25 = arith.constant 0 : i32
    %dma_start3A_26 = tpu.memref_slice %arg2[%dma_start3A_24, %dma_start3A_25] : memref<100000x1024xf32, #tpu.memory_space<hbm>> -> memref<100000x1024xf32, #tpu.memory_space<hbm>>
    tpu.enqueue_indirect_dma source(%dma_start3A_26 : memref<100000x1024xf32, #tpu.memory_space<hbm>>) target(%dma_start3A_22 : memref<16x1024xf32, #tpu.memory_space<vmem>>) offsets(%dma_start3A_23 : memref<16xi32, #tpu.memory_space<vmem>>) semaphore(%arg11 : memref<!tpu.dma_semaphore, #tpu.memory_space<semaphore_mem>>)
    %dma_wait3A = arith.constant 0 : i32
    %dma_wait3A_27 = arith.constant 0 : i32
    %dma_wait3A_28 = tpu.memref_slice %arg9[%dma_wait3A, %dma_wait3A_27] : memref<32x1024xf32, #tpu.memory_space<vmem>> -> memref<16x1024xf32, #tpu.memory_space<vmem>>
    %dma_wait3A_29 = tpu.memref_slice %arg8[%mul3A_11] : memref<1024xi32, #tpu.memory_space<vmem>> -> memref<16xi32, #tpu.memory_space<vmem>>
    %dma_wait3A_30 = arith.constant 0 : i32
    %dma_wait3A_31 = arith.constant 0 : i32
    %dma_wait3A_32 = tpu.memref_slice %arg2[%dma_wait3A_30, %dma_wait3A_31] : memref<100000x1024xf32, #tpu.memory_space<hbm>> -> memref<100000x1024xf32, #tpu.memory_space<hbm>>
    tpu.wait_indirect_dma semaphore(%arg10 : memref<!tpu.dma_semaphore, #tpu.memory_space<semaphore_mem>>) src(%dma_wait3A_32 : memref<100000x1024xf32, #tpu.memory_space<hbm>>) dst(%dma_wait3A_28 : memref<16x1024xf32, #tpu.memory_space<vmem>>)
    %dma_start3A_33 = arith.constant 0 : i32
    %dma_start3A_34 = arith.constant 0 : i32
    %dma_start3A_35 = tpu.memref_slice %arg9[%dma_start3A_33, %dma_start3A_34] : memref<32x1024xf32, #tpu.memory_space<vmem>> -> memref<16x1024xf32, #tpu.memory_space<vmem>>
    %dma_start3A_36 = arith.constant 0 : i32
    %dma_start3A_37 = tpu.memref_slice %arg5[%mul3A_11, %dma_start3A_36] : memref<1024x1024xf32, #tpu.memory_space<hbm>> -> memref<16x1024xf32, #tpu.memory_space<hbm>>
    %dma_start3A_38 = arith.constant 0 : i32
    %dma_start3A_39 = tpu.memref_slice %arg5[%mul3A_11, %dma_start3A_38] : memref<1024x1024xf32, #tpu.memory_space<hbm>> -> memref<16x1024xf32, #tpu.memory_space<hbm>>
    %dma_start3A_40 = arith.constant 0 : i32
    %dma_start3A_41 = arith.constant 0 : i32
    %dma_start3A_42 = tpu.memref_slice %arg9[%dma_start3A_40, %dma_start3A_41] : memref<32x1024xf32, #tpu.memory_space<vmem>> -> memref<16x1024xf32, #tpu.memory_space<vmem>>
    tpu.enqueue_dma source(%dma_start3A_42 : memref<16x1024xf32, #tpu.memory_space<vmem>>) target(%dma_start3A_39 : memref<16x1024xf32, #tpu.memory_space<hbm>>) target_semaphore(%arg10 : memref<!tpu.dma_semaphore, #tpu.memory_space<semaphore_mem>>)
    %dma_wait3A_43 = arith.constant 16 : i32
    %dma_wait3A_44 = arith.constant 0 : i32
    %dma_wait3A_45 = tpu.memref_slice %arg9[%dma_wait3A_43, %dma_wait3A_44] : memref<32x1024xf32, #tpu.memory_space<vmem>> -> memref<16x1024xf32, #tpu.memory_space<vmem>>
    %dma_wait3A_46 = tpu.memref_slice %arg8[%add3A_19] : memref<1024xi32, #tpu.memory_space<vmem>> -> memref<16xi32, #tpu.memory_space<vmem>>
    %dma_wait3A_47 = arith.constant 0 : i32
    %dma_wait3A_48 = arith.constant 0 : i32
    %dma_wait3A_49 = tpu.memref_slice %arg2[%dma_wait3A_47, %dma_wait3A_48] : memref<100000x1024xf32, #tpu.memory_space<hbm>> -> memref<100000x1024xf32, #tpu.memory_space<hbm>>
    tpu.wait_indirect_dma semaphore(%arg11 : memref<!tpu.dma_semaphore, #tpu.memory_space<semaphore_mem>>) src(%dma_wait3A_49 : memref<100000x1024xf32, #tpu.memory_space<hbm>>) dst(%dma_wait3A_45 : memref<16x1024xf32, #tpu.memory_space<vmem>>)
    %add3A_50 = arith.constant 16 : i32
    %add3A_51 = arith.addi %mul3A_11, %add3A_50 : i32
    %dma_start3A_52 = arith.constant 16 : i32
    %dma_start3A_53 = arith.constant 0 : i32
    %dma_start3A_54 = tpu.memref_slice %arg9[%dma_start3A_52, %dma_start3A_53] : memref<32x1024xf32, #tpu.memory_space<vmem>> -> memref<16x1024xf32, #tpu.memory_space<vmem>>
    %dma_start3A_55 = arith.constant 0 : i32
    %dma_start3A_56 = tpu.memref_slice %arg5[%add3A_51, %dma_start3A_55] : memref<1024x1024xf32, #tpu.memory_space<hbm>> -> memref<16x1024xf32, #tpu.memory_space<hbm>>
    %dma_start3A_57 = arith.constant 0 : i32
    %dma_start3A_58 = tpu.memref_slice %arg5[%add3A_51, %dma_start3A_57] : memref<1024x1024xf32, #tpu.memory_space<hbm>> -> memref<16x1024xf32, #tpu.memory_space<hbm>>
    %dma_start3A_59 = arith.constant 16 : i32
    %dma_start3A_60 = arith.constant 0 : i32
    %dma_start3A_61 = tpu.memref_slice %arg9[%dma_start3A_59, %dma_start3A_60] : memref<32x1024xf32, #tpu.memory_space<vmem>> -> memref<16x1024xf32, #tpu.memory_space<vmem>>
    tpu.enqueue_dma source(%dma_start3A_61 : memref<16x1024xf32, #tpu.memory_space<vmem>>) target(%dma_start3A_58 : memref<16x1024xf32, #tpu.memory_space<hbm>>) target_semaphore(%arg11 : memref<!tpu.dma_semaphore, #tpu.memory_space<semaphore_mem>>)
    %dma_wait3A_62 = arith.constant 0 : i32
    %dma_wait3A_63 = arith.constant 0 : i32
    %dma_wait3A_64 = tpu.memref_slice %arg9[%dma_wait3A_62, %dma_wait3A_63] : memref<32x1024xf32, #tpu.memory_space<vmem>> -> memref<16x1024xf32, #tpu.memory_space<vmem>>
    %dma_wait3A_65 = arith.constant 0 : i32
    %dma_wait3A_66 = tpu.memref_slice %arg5[%mul3A_11, %dma_wait3A_65] : memref<1024x1024xf32, #tpu.memory_space<hbm>> -> memref<16x1024xf32, #tpu.memory_space<hbm>>
    %dma_wait3A_67 = arith.constant 0 : i32
    %dma_wait3A_68 = tpu.memref_slice %arg5[%mul3A_11, %dma_wait3A_67] : memref<1024x1024xf32, #tpu.memory_space<hbm>> -> memref<16x1024xf32, #tpu.memory_space<hbm>>
    %dma_wait3A_69 = arith.constant 0 : i32
    %dma_wait3A_70 = arith.constant 0 : i32
    %dma_wait3A_71 = tpu.memref_slice %arg9[%dma_wait3A_69, %dma_wait3A_70] : memref<32x1024xf32, #tpu.memory_space<vmem>> -> memref<16x1024xf32, #tpu.memory_space<vmem>>
    tpu.wait_dma2 semaphore(%arg10 : memref<!tpu.dma_semaphore, #tpu.memory_space<semaphore_mem>>) src(%dma_wait3A_71 : memref<16x1024xf32, #tpu.memory_space<vmem>>) dst(%dma_wait3A_68 : memref<16x1024xf32, #tpu.memory_space<hbm>>)
    %dma_wait3A_72 = arith.constant 16 : i32
    %dma_wait3A_73 = arith.constant 0 : i32
    %dma_wait3A_74 = tpu.memref_slice %arg9[%dma_wait3A_72, %dma_wait3A_73] : memref<32x1024xf32, #tpu.memory_space<vmem>> -> memref<16x1024xf32, #tpu.memory_space<vmem>>
    %dma_wait3A_75 = arith.constant 0 : i32
    %dma_wait3A_76 = tpu.memref_slice %arg5[%add3A_51, %dma_wait3A_75] : memref<1024x1024xf32, #tpu.memory_space<hbm>> -> memref<16x1024xf32, #tpu.memory_space<hbm>>
    %dma_wait3A_77 = arith.constant 0 : i32
    %dma_wait3A_78 = tpu.memref_slice %arg5[%add3A_51, %dma_wait3A_77] : memref<1024x1024xf32, #tpu.memory_space<hbm>> -> memref<16x1024xf32, #tpu.memory_space<hbm>>
    %dma_wait3A_79 = arith.constant 16 : i32
    %dma_wait3A_80 = arith.constant 0 : i32
    %dma_wait3A_81 = tpu.memref_slice %arg9[%dma_wait3A_79, %dma_wait3A_80] : memref<32x1024xf32, #tpu.memory_space<vmem>> -> memref<16x1024xf32, #tpu.memory_space<vmem>>
    tpu.wait_dma2 semaphore(%arg11 : memref<!tpu.dma_semaphore, #tpu.memory_space<semaphore_mem>>) src(%dma_wait3A_81 : memref<16x1024xf32, #tpu.memory_space<vmem>>) dst(%dma_wait3A_78 : memref<16x1024xf32, #tpu.memory_space<hbm>>)
    return
  }
}

module attributes {stable_mosaic.version = 14 : i64} {
  func.func @_tc_body(%arg0: i32, %arg1: memref<1000x256xf32, #tpu.memory_space<vmem>>, %arg2: memref<1000x256xf32, #tpu.memory_space<vmem>>, %arg3: memref<1x1xf32, #tpu.memory_space<vmem>>, %arg4: memref<1x256xf32, #tpu.memory_space<vmem>>, %arg5: memref<1x256xf32, #tpu.memory_space<vmem>>) attributes {dimension_semantics = [#tpu.dimension_semantics<arbitrary>], iteration_bounds = array<i64: 4>, scalar_prefetch = 0 : i64, scratch_operands = 0 : i64, tpu.core_type = #tpu.core_type<tc>, window_params = [{transform_indices = @transform_0, window_bounds = array<i64: 1000, 256>}, {transform_indices = @transform_1, window_bounds = array<i64: 1000, 256>}, {pipeline_mode = #tpu.pipeline_mode<synchronous>, transform_indices = @transform_2, window_bounds = array<i64: 1, 1>}, {transform_indices = @transform_3, window_bounds = array<i64: 1, 256>}, {transform_indices = @transform_4, window_bounds = array<i64: 1, 256>}]} {
    %get3A = arith.constant 0 : index
    %get3A_0 = arith.constant 0 : index
    %get3A_1 = vector.load %arg1[%get3A, %get3A_0] : memref<1000x256xf32, #tpu.memory_space<vmem>>, vector<1000x256xf32>
    %mul3A = arith.constant 5.000000e-01 : f32
    %mul3A_2 = vector.broadcast %mul3A : f32 to vector<1000x256xf32>
    %mul3A_3 = arith.mulf %get3A_1, %mul3A_2 : vector<1000x256xf32>
    %reduce_max3A = arith.constant dense<0xFF800000> : vector<256xf32>
    %reduce_max3A_4 = vector.multi_reduction <maximumf>, %mul3A_3, %reduce_max3A [0] : vector<1000x256xf32> to vector<256xf32>
    %broadcast_in_dim3A = vector.shape_cast %reduce_max3A_4 : vector<256xf32> to vector<1x256xf32>
    %sub3A = vector.broadcast %broadcast_in_dim3A : vector<1x256xf32> to vector<1000x256xf32>
    %sub3A_5 = arith.subf %mul3A_3, %sub3A : vector<1000x256xf32>
    %exp3A = math.exp %sub3A_5 : vector<1000x256xf32>
    %reduce_sum3A = arith.constant dense<0.000000e+00> : vector<256xf32>
    %reduce_sum3A_6 = vector.multi_reduction <add>, %exp3A, %reduce_sum3A [0] : vector<1000x256xf32> to vector<256xf32>
    %broadcast_in_dim3A_7 = vector.shape_cast %reduce_sum3A_6 : vector<256xf32> to vector<1x256xf32>
    %div3A = vector.broadcast %broadcast_in_dim3A_7 : vector<1x256xf32> to vector<1000x256xf32>
    %div3A_8 = arith.divf %exp3A, %div3A : vector<1000x256xf32>
    %mul3A_9 = arith.constant 0.949999988 : f32
    %mul3A_10 = vector.broadcast %mul3A_9 : f32 to vector<1000x256xf32>
    %mul3A_11 = arith.mulf %mul3A_10, %div3A_8 : vector<1000x256xf32>
    %add3A = arith.constant 5.000000e-05 : f32
    %add3A_12 = vector.broadcast %add3A : f32 to vector<1000x256xf32>
    %add3A_13 = arith.addf %mul3A_11, %add3A_12 : vector<1000x256xf32>
    %get3A_14 = arith.constant 0 : index
    %get3A_15 = arith.constant 0 : index
    %get3A_16 = vector.load %arg2[%get3A_14, %get3A_15] : memref<1000x256xf32, #tpu.memory_space<vmem>>, vector<1000x256xf32>
    %mul3A_17 = arith.constant 5.000000e-01 : f32
    %mul3A_18 = vector.broadcast %mul3A_17 : f32 to vector<1000x256xf32>
    %mul3A_19 = arith.mulf %get3A_16, %mul3A_18 : vector<1000x256xf32>
    %reduce_max3A_20 = arith.constant dense<0xFF800000> : vector<256xf32>
    %reduce_max3A_21 = vector.multi_reduction <maximumf>, %mul3A_19, %reduce_max3A_20 [0] : vector<1000x256xf32> to vector<256xf32>
    %broadcast_in_dim3A_22 = vector.shape_cast %reduce_max3A_21 : vector<256xf32> to vector<1x256xf32>
    %sub3A_23 = vector.broadcast %broadcast_in_dim3A_22 : vector<1x256xf32> to vector<1000x256xf32>
    %sub3A_24 = arith.subf %mul3A_19, %sub3A_23 : vector<1000x256xf32>
    %exp3A_25 = math.exp %sub3A_24 : vector<1000x256xf32>
    %reduce_sum3A_26 = arith.constant dense<0.000000e+00> : vector<256xf32>
    %reduce_sum3A_27 = vector.multi_reduction <add>, %exp3A_25, %reduce_sum3A_26 [0] : vector<1000x256xf32> to vector<256xf32>
    %broadcast_in_dim3A_28 = vector.shape_cast %reduce_sum3A_27 : vector<256xf32> to vector<1x256xf32>
    %log3A = math.log %broadcast_in_dim3A_28 : vector<1x256xf32>
    %add3A_29 = arith.addf %broadcast_in_dim3A_22, %log3A : vector<1x256xf32>
    %max3A = arith.constant 9.99999996E-13 : f32
    %max3A_30 = vector.broadcast %max3A : f32 to vector<1000x256xf32>
    %max3A_31 = arith.maximumf %add3A_13, %max3A_30 : vector<1000x256xf32>
    %log3A_32 = math.log %max3A_31 : vector<1000x256xf32>
    %mul3A_33 = arith.mulf %max3A_31, %log3A_32 : vector<1000x256xf32>
    %reduce_sum3A_34 = arith.constant dense<0.000000e+00> : vector<256xf32>
    %reduce_sum3A_35 = vector.multi_reduction <add>, %mul3A_33, %reduce_sum3A_34 [0] : vector<1000x256xf32> to vector<256xf32>
    %broadcast_in_dim3A_36 = vector.shape_cast %reduce_sum3A_35 : vector<256xf32> to vector<1x256xf32>
    %mul3A_37 = arith.mulf %max3A_31, %mul3A_19 : vector<1000x256xf32>
    %reduce_sum3A_38 = arith.constant dense<0.000000e+00> : vector<256xf32>
    %reduce_sum3A_39 = vector.multi_reduction <add>, %mul3A_37, %reduce_sum3A_38 [0] : vector<1000x256xf32> to vector<256xf32>
    %broadcast_in_dim3A_40 = vector.shape_cast %reduce_sum3A_39 : vector<256xf32> to vector<1x256xf32>
    %sub3A_41 = arith.subf %broadcast_in_dim3A_36, %broadcast_in_dim3A_40 : vector<1x256xf32>
    %reduce_sum3A_42 = arith.constant dense<0.000000e+00> : vector<256xf32>
    %reduce_sum3A_43 = vector.multi_reduction <add>, %max3A_31, %reduce_sum3A_42 [0] : vector<1000x256xf32> to vector<256xf32>
    %broadcast_in_dim3A_44 = vector.shape_cast %reduce_sum3A_43 : vector<256xf32> to vector<1x256xf32>
    %mul3A_45 = arith.mulf %add3A_29, %broadcast_in_dim3A_44 : vector<1x256xf32>
    %add3A_46 = arith.addf %sub3A_41, %mul3A_45 : vector<1x256xf32>
    %reduce_max3A_47 = arith.constant dense<0xFF800000> : vector<256xf32>
    %reduce_max3A_48 = vector.multi_reduction <maximumf>, %add3A_13, %reduce_max3A_47 [0] : vector<1000x256xf32> to vector<256xf32>
    %broadcast_in_dim3A_49 = vector.shape_cast %reduce_max3A_48 : vector<256xf32> to vector<1x256xf32>
    %sub3A_50 = arith.constant 0.699999988 : f32
    %sub3A_51 = vector.broadcast %sub3A_50 : f32 to vector<1x256xf32>
    %sub3A_52 = arith.subf %broadcast_in_dim3A_49, %sub3A_51 : vector<1x256xf32>
    %div3A_53 = arith.constant 3.000000e-01 : f32
    %div3A_54 = vector.broadcast %div3A_53 : f32 to vector<1x256xf32>
    %div3A_55 = arith.divf %sub3A_52, %div3A_54 : vector<1x256xf32>
    %jit3A = arith.constant 0.000000e+00 : f32
    %jit3A_56 = arith.constant 1.000000e+00 : f32
    %max3A_57 = vector.broadcast %jit3A : f32 to vector<1x256xf32>
    %max3A_58 = arith.maximumf %max3A_57, %div3A_55 : vector<1x256xf32>
    %min3A = vector.broadcast %jit3A_56 : f32 to vector<1x256xf32>
    %min3A_59 = arith.minimumf %min3A, %max3A_58 : vector<1x256xf32>
    %swap3A = arith.constant 0 : index
    %swap3A_60 = arith.constant 0 : index
    %swap3A_61 = vector.load %arg4[%swap3A, %swap3A_60] : memref<1x256xf32, #tpu.memory_space<vmem>>, vector<1x256xf32>
    tpu.vector_store %arg4[%swap3A, %swap3A_60], %broadcast_in_dim3A_49 {strides = array<i32>} : memref<1x256xf32, #tpu.memory_space<vmem>>, vector<1x256xf32>,
    %swap3A_62 = arith.constant 0 : index
    %swap3A_63 = arith.constant 0 : index
    %swap3A_64 = vector.load %arg5[%swap3A_62, %swap3A_63] : memref<1x256xf32, #tpu.memory_space<vmem>>, vector<1x256xf32>
    tpu.vector_store %arg5[%swap3A_62, %swap3A_63], %min3A_59 {strides = array<i32>} : memref<1x256xf32, #tpu.memory_space<vmem>>, vector<1x256xf32>,
    %mul3A_65 = arith.constant 4.000000e+00 : f32
    %mul3A_66 = vector.broadcast %mul3A_65 : f32 to vector<1x256xf32>
    %mul3A_67 = arith.mulf %min3A_59, %mul3A_66 : vector<1x256xf32>
    %mul3A_68 = arith.mulf %mul3A_67, %add3A_46 : vector<1x256xf32>
    %reduce_sum3A_69 = vector.shape_cast %mul3A_68 : vector<1x256xf32> to vector<1x1x256xf32>
    %reduce_sum3A_70 = arith.constant dense<0.000000e+00> : vector<1xf32>
    %reduce_sum3A_71 = vector.multi_reduction <add>, %reduce_sum3A_69, %reduce_sum3A_70 [1, 2] : vector<1x1x256xf32> to vector<1xf32>
    %reduce_sum3A_72 = vector.shape_cast %reduce_sum3A_71 : vector<1xf32> to vector<1x1x1xf32>
    %reduce_sum3A_73 = vector.extract %reduce_sum3A_72[0, 0, 0] : f32 from vector<1x1x1xf32>
    %mul3A_74 = arith.constant 9.765625E-4 : f32
    %mul3A_75 = arith.mulf %reduce_sum3A_73, %mul3A_74 : f32
    %eq3A = arith.constant 0 : i32
    %eq3A_76 = arith.cmpi eq, %arg0, %eq3A : i32
    %convert_element_type3A = arith.extui %eq3A_76 : i1 to i32
    %cond3A = arith.constant 0 : i32
    %cond3A_77 = arith.cmpi ne, %convert_element_type3A, %cond3A : i32
    scf.if %cond3A_77 {
      %broadcast_in_dim3A_82 = vector.broadcast %mul3A_75 : f32 to vector<1x1xf32>
      %swap3A_83 = arith.constant 0 : index
      %swap3A_84 = arith.constant 0 : index
      %swap3A_85 = vector.load %arg3[%swap3A_83, %swap3A_84] : memref<1x1xf32, #tpu.memory_space<vmem>>, vector<1x1xf32>
      tpu.vector_store %arg3[%swap3A_83, %swap3A_84], %broadcast_in_dim3A_82 {strides = array<i32>} : memref<1x1xf32, #tpu.memory_space<vmem>>, vector<1x1xf32>,
    } else {
    }
    %ne3A = arith.constant 0 : i32
    %ne3A_78 = arith.cmpi ne, %arg0, %ne3A : i32
    %convert_element_type3A_79 = arith.extui %ne3A_78 : i1 to i32
    %cond3A_80 = arith.constant 0 : i32
    %cond3A_81 = arith.cmpi ne, %convert_element_type3A_79, %cond3A_80 : i32
    scf.if %cond3A_81 {
      %get3A_82 = arith.constant 0 : index
      %get3A_83 = arith.constant 0 : index
      %get3A_84 = vector.load %arg3[%get3A_82, %get3A_83] : memref<1x1xf32, #tpu.memory_space<vmem>>, vector<1x1xf32>
      %broadcast_in_dim3A_85 = vector.broadcast %mul3A_75 : f32 to vector<1x1xf32>
      %add3A_86 = arith.addf %get3A_84, %broadcast_in_dim3A_85 : vector<1x1xf32>
      %swap3A_87 = arith.constant 0 : index
      %swap3A_88 = arith.constant 0 : index
      %swap3A_89 = vector.load %arg3[%swap3A_87, %swap3A_88] : memref<1x1xf32, #tpu.memory_space<vmem>>, vector<1x1xf32>
      tpu.vector_store %arg3[%swap3A_87, %swap3A_88], %add3A_86 {strides = array<i32>} : memref<1x1xf32, #tpu.memory_space<vmem>>, vector<1x1xf32>,
    } else {
    }
    return
  }
  func.func @transform_0(%arg0: i32) -> (i32, i32) {
    %c0_i32 = arith.constant 0 : i32
    %c0_i32_0 = arith.constant 0 : i32
    return %c0_i32, %arg0 : i32, i32
  }
  func.func @transform_1(%arg0: i32) -> (i32, i32) {
    %c0_i32 = arith.constant 0 : i32
    %c0_i32_0 = arith.constant 0 : i32
    return %c0_i32, %arg0 : i32, i32
  }
  func.func @transform_2(%arg0: i32) -> (i32, i32) {
    %c0_i32 = arith.constant 0 : i32
    %c0_i32_0 = arith.constant 0 : i32
    %c0_i32_1 = arith.constant 0 : i32
    return %c0_i32, %c0_i32_0 : i32, i32
  }
  func.func @transform_3(%arg0: i32) -> (i32, i32) {
    %c0_i32 = arith.constant 0 : i32
    %c0_i32_0 = arith.constant 0 : i32
    return %c0_i32, %arg0 : i32, i32
  }
  func.func @transform_4(%arg0: i32) -> (i32, i32) {
    %c0_i32 = arith.constant 0 : i32
    %c0_i32_0 = arith.constant 0 : i32
    return %c0_i32, %arg0 : i32, i32
  }
}

</mosaic_0001>

<sc_bundles>
// kernel: kernel.4.cloned.1.call-start
scs
__scs_entry_jumppad:
0x0: {  	(pc) =	sbr.rel $0x88, $3  }
0x1: {  	(tag) =	ssettag $0x0;
	lr =	simm.s32 $0x1  }
0x2: {  	[smem:$0x3F9D] =	sst lr;
	_ =	strace $0xD0000000  }
0x3: {  	_ = 	snop  }
0x4: {  	_ = 	snop  }
0x5: {  	_ = 	snop  }
0x6: {  	_ = 	snop  }
0x7: {  	_ = 	snop  }
__scs_overlays_trampoline_lowered:
0x8: {  	[smem:$0x3FAC] =	sst s0  }
0x9: {  	[smem:$0x3FAD] =	sst s1  }
0xa: {  	[smem:$0x3FAE] =	sst s2  }
0xb: {  	[smem:$0x3FAF] =	sst s3  }
0xc: {  	[smem:$0x3FB0] =	sst s4  }
0xd: {  	[smem:$0x3FB1] =	sst s5  }
0xe: {  	[smem:$0x3FB2] =	sst s6  }
0xf: {  	[smem:$0x3FB3] =	sst s7  }
0x10: {  	[smem:$0x3FB4] =	sst s8  }
0x11: {  	[smem:$0x3FB5] =	sst s9;
	s0 =	simm.s32 @!p0 $0x0  }
0x12: {  	s1 =	sld [smem:$0x3F9B];
	s0 =	simm.s32 @p0 $0x1  }
0x13: {  	[smem:$0x3FB6] =	sst s0;
	s0 =	simm.s32 @!p1 $0x0  }
0x14: {  	s2 =	sld [smem:$0x3F9A];
	s0 =	simm.s32 @p1 $0x1  }
0x15: {  	[smem:$0x3FB7] =	sst s0;
	s0 =	simm.s32 @!p2 $0x0  }
0x16: {  	s3 =	sld [smem:$0x3FDB];
	s0 =	simm.s32 @p2 $0x1  }
0x17: {  	s4 =	simm.s32 $0x1BF5;
	[smem:$0x3FB9] =	sst s0  }
0x18: {  	s0 =	sld [smem:$0x3F9C];
	_ =	swait.ge [sflag:s4], $0x0  }
0x19: {  	s7 =	sld [smem:$0x3F9D]  }
0x1a: {  	s8 =	sadd.s32 $0xFFFFE003, lr  }
0x1b: {  	s9 =	sadd.s32 $0xFFFFFEF7, lr;
	s5 =	simm.s32 $0xFFFFFFFF;
	p2 =	slt.u32 s8, $0xFFFFF086  }
0x1c: {  	p1 =	slt.u32 s9, $0xF7A;
	s5 =	simm.s32 @!p2 $0x0  }
0x1d: {  	s5 =	simm.s32 @p1 $0x1;
	p0 =	seq.s32 s7, s2  }
0x1e: {  	s7 =	smul.u32 @!p0 $0xF7A, s2;
	p2 =	seq.s32 @!p0 s5, $0x0  }
0x1f: {  	s9 =	smul.u32 $0xF7A, s1;
	s8 =	simm.s32 @!p0 $0x1BF5;
	p2 =	por !p2, p0  }
0x20: {  	[sflag:s8] =	ssyncset.s32 @!p0 $0xFFFFF086;
	s6 =	sadd.s32 @!p0 s3, s7;
	s7 =	simm.s32 @!p0 $0x108  }
0x21: {  	s3 =	sadd.s32 s3, s9;
	s6 =	sadd.s32 @!p0 $0x88, s6;
	s7 =	simm.s32 @p2 $0x1082  }
0x22: {  	[simem:s7], [sflag:s8] =	dma.local @!p0 [hbm:s6], $0xF7A  }
0x23: {  	s9 =	sor.u32 $0xD0000000, s2;
	s6 =	simm.s32 $0x108;
	_ =	swait.ge @!p0 [sflag:s8], $0x0  }
0x24: {  	s3 =	sadd.s32 $0x88, s3;
	s6 =	simm.s32 @!p1 $0x1082;
	[sflag:s4] =	ssyncset.s32 $0xFFFFF086  }
0x25: {  	[simem:s6], [sflag:s4] =	dma.local [hbm:s3], $0xF7A  }
0x26: {  	[smem:$0x3F9D] =	sst s1;
	(tag) =	ssettag s2;
	_ =	strace s9  }
0x27: {  	s1 =	sld [smem:$0x3FAD]  }
0x28: {  	s2 =	sld [smem:$0x3FAE]  }
0x29: {  	s4 =	sld [smem:$0x3FB0]  }
0x2a: {  	p0 =	seq.s32 s5, $0x0;
	s5 =	sld [smem:$0x3FB1]  }
0x2b: {  	s6 =	sld [smem:$0x3FB2]  }
0x2c: {  	s7 =	sld [smem:$0x3FB3]  }
0x2d: {  	s3 =	simm.s32 $0x108;
	s8 =	sld [smem:$0x3FB4]  }
0x2e: {  	s3 =	simm.s32 @!p0 $0x1082;
	s9 =	sld [smem:$0x3FB5]  }
0x2f: {  	lr =	sadd.s32 s0, s3;
	s0 =	sld [smem:$0x3FAC]  }
0x30: {  	s3 =	sld [smem:$0x3FAF]  }
0x31: {  	[smem:$0x3FB8] =	sst s10  }
0x32: {  	s10 =	sld [smem:$0x3FB6];
	_ =	sdelay $0x3  }
0x33: {  	p0 =	seq.s32 s10, $0x1;
	s10 =	sld [smem:$0x3FB8];
	_ =	sdelay $0x3  }
0x34: {  	[smem:$0x3FB8] =	sst s10  }
0x35: {  	s10 =	sld [smem:$0x3FB7];
	_ =	sdelay $0x3  }
0x36: {  	p1 =	seq.s32 s10, $0x1;
	s10 =	sld [smem:$0x3FB8];
	_ =	sdelay $0x3  }
0x37: {  	[smem:$0x3FB8] =	sst s10  }
0x38: {  	s10 =	sld [smem:$0x3FB9]  }
0x39: {  	_ = 	snop;
	(pc) =	sbr.ind lr, $3  }
0x3a: {  	_ = 	snop  }
0x3b: {  	_ = 	snop  }
0x3c: {  	p2 =	seq.s32 s10, $0x1;
	s10 =	sld [smem:$0x3FB8]  }
0x3d: {  	_ =	shalt  }
0x3e: {  	_ =	shalt  }
0x3f: {  	_ =	shalt  }
0x40: {  	_ =	shalt  }
0x41: {  	_ =	shalt  }
0x42: {  	_ =	shalt  }
0x43: {  	_ =	shalt  }
0x44: {  	_ =	shalt  }
0x45: {  	_ =	shalt  }
0x46: {  	_ =	shalt  }
0x47: {  	_ =	shalt  }
0x48: {  	_ =	shalt  }
0x49: {  	_ =	shalt  }
0x4a: {  	_ =	shalt  }
0x4b: {  	_ =	shalt  }
0x4c: {  	_ =	shalt  }
0x4d: {  	_ =	shalt  }
0x4e: {  	_ =	shalt  }
0x4f: {  	_ =	shalt  }
0x50: {  	_ =	shalt  }
0x51: {  	_ =	shalt  }
0x52: {  	_ =	shalt  }
0x53: {  	_ =	shalt  }
0x54: {  	_ =	shalt  }
0x55: {  	_ =	shalt  }
0x56: {  	_ =	shalt  }
0x57: {  	_ =	shalt  }
0x58: {  	_ =	shalt  }
0x59: {  	_ =	shalt  }
0x5a: {  	_ =	shalt  }
0x5b: {  	_ =	shalt  }
0x5c: {  	_ =	shalt  }
0x5d: {  	_ =	shalt  }
0x5e: {  	_ =	shalt  }
0x5f: {  	_ =	shalt  }
0x60: {  	_ =	shalt  }
0x61: {  	_ =	shalt  }
0x62: {  	_ =	shalt  }
0x63: {  	_ =	shalt  }
0x64: {  	_ =	shalt  }
0x65: {  	_ =	shalt  }
0x66: {  	_ =	shalt  }
0x67: {  	_ =	shalt  }
0x68: {  	_ =	shalt  }
0x69: {  	_ =	shalt  }
0x6a: {  	_ =	shalt  }
0x6b: {  	_ =	shalt  }
0x6c: {  	_ =	shalt  }
0x6d: {  	_ =	shalt  }
0x6e: {  	_ =	shalt  }
0x6f: {  	_ =	shalt  }
0x70: {  	_ =	shalt  }
0x71: {  	_ =	shalt  }
0x72: {  	_ =	shalt  }
0x73: {  	_ =	shalt  }
0x74: {  	_ =	shalt  }
0x75: {  	_ =	shalt  }
0x76: {  	_ =	shalt  }
0x77: {  	_ =	shalt  }
0x78: {  	_ =	shalt  }
0x79: {  	_ =	shalt  }
0x7a: {  	_ =	shalt  }
0x7b: {  	_ =	shalt  }
0x7c: {  	_ =	shalt  }
0x7d: {  	_ =	shalt  }
0x7e: {  	_ =	shalt  }
0x7f: {  	_ =	shalt  }
0x80: {  	_ =	shalt  }
0x81: {  	_ =	shalt  }
0x82: {  	_ =	shalt  }
0x83: {  	_ =	shalt  }
0x84: {  	_ =	shalt  }
0x85: {  	_ =	shalt  }
0x86: {  	_ =	shalt  }
0x87: {  	_ =	shalt  }
.Lfunc_end0:
.L_simem_size_0:
called_computation_lowered:
.L_overlay_start_0:
0x88: {  	s2 =	sld [smem:$0x3FD9]  }
0x89: {  	s3 =	sld [smem:$0x3FFE];
	_ =	sdelay $0x1  }
0x8a: {  	s1 =	srdreg.scid  }
0x8b: {  	s0 =	sand.u32 $0x1, s1  }
0x8c: {  	s17 =	sshll.u32 s0, $0xA;
	s2 =	sadd.s32 s3, s2  }
0x8d: {  	s2 =	sadd.s32 s2, s17  }
0x8e: {  	[smem:$0x3FC4] =	sst s2  }
0x8f: {  	_ = 	snop  }
0x90: {  	s2 =	sld [smem:$0x3FC9]  }
0x91: {  	s18 =	sld [smem:$0x3FC7]  }
0x92: {  	s4 =	sld [smem:$0x3FC6];
	(tm) =	ssettm $0x1  }
0x93: {  	s5 =	sld [smem:$0x3FFB];
	_ =	sdelay $0x3  }
0x94: {  	_ =	strace s5  }
0x95: {  	s5 =	sld [smem:$0x3FFC];
	_ =	sdelay $0x3  }
0x96: {  	_ =	strace s5  }
0x97: {  	s5 =	sld [smem:$0x3FFD];
	_ =	sdelay $0x3  }
0x98: {  	_ =	strace s5  }
0x99: {  	_ =	strace $0x8FFFFFFF  }
0x9a: {  	s19 =	sld [smem:$0x3FDB];
	_ =	sdelay $0x1  }
0x9b: {  	s6 =	simm.s32 $_scs_section_size  }
0x9c: {  	s7 =	simm.s32 $_size__tile_overlayer_lowered;
	s8 =	simm.s32 $_tile_overlayer_lowered  }
0x9d: {  	s22 =	simm.s32 $0x1BFF;
	s21 =	sshll.u32 s8, $0x1;
	s5 =	sadd.s32 s6, s19  }
0x9e: {  	s9 =	simm.s32 $0x0;
	s20 =	sshll.u32 s7, $0x1;
	s7 =	sadd.s32 s21, s5  }
0x9f: {  	[timem:s9], [sflag:s22] =	dma.local [hbm:s7], s20  }
0xa0: {  	_ =	swait.ge [sflag:s22], s20  }
0xa1: {  	s6 =	ssub.s32 $0x0, s20;
	[sflag:s22] =	ssyncset.done $0x0  }
0xa2: {  	[sflag:s22] =	ssyncadd.s32 s6;
	_ =	sdelay $0x1  }
0xa3: {  	s23 =	simm.s32 $0x1B8B  }
0xa4: {  	_ =	swait.ge [sflag:s23], $0x1  }
0xa5: {  	[sflag:s23] =	ssyncset.done $0x0  }
0xa6: {  	s25 =	simm.s32 $0x1B8E;
	s24 =	sld [smem:$0x3FFE];
	[sflag:s23] =	ssyncadd.s32 $0xFFFFFFFF  }
0xa7: {  	s26 =	simm.s32 $execute0_lowered;
	[smem:$0x3FD2] =	sst s25  }
0xa8: {  	s7 =	sshll.u32 s26, $0x1;
	_ =	strace $0x80000046;
	[dreg:$0x1] =	wrdreg $0xFFFFFFFF  }
0xa9: {  	s28 =	simm.s32 $_size_execute0_lowered;
	s5 =	sadd.s32 s5, s7;
	[dreg:$0x0] =	wrdreg $0x0  }
0xaa: {  	s7 =	sshll.u32 s28, $0x1;
	[dreg:$0x2] =	wrdreg s5  }
0xab: {  	[dreg:$0x3] =	wrdreg s7  }
0xac: {  	[dreg:$0x4] =	wrdreg $0xC0  }
0xad: {  	_ =	task [dreg:s9], $0x5FFFF  }
0xae: {  	[dreg:$0x1] =	wrdreg $0xFFFFFFFF  }
0xaf: {  	[dreg:$0x0] =	wrdreg $0x60  }
0xb0: {  	[dreg:$0x2] =	wrdreg s2  }
0xb1: {  	[dreg:$0x3] =	wrdreg s18  }
0xb2: {  	[dreg:$0x4] =	wrdreg s4  }
0xb3: {  	[dreg:$0x5] =	wrdreg s24  }
0xb4: {  	[dreg:$0x6] =	wrdreg $0x9  }
0xb5: {  	_ =	task.clear_ibuf [dreg:s9], $0x7FFFF;
	_ =	strace $0x90000046  }
0xb6: {  	s29 =	simm.s32 $0x9;
	_ =	strace $0x80000048  }
0xb7: {  	_ =	swait.ge [sflag:s29], $0x1  }
0xb8: {  	[sflag:s29] =	ssyncadd.s32 $0xFFFFFFFF  }
0xb9: {  	_ =	strace $0x90000048  }
0xba: {  	_ =	sfence  }
0xbb: {  	s30 =	sld [smem:$0x0];
	_ =	sdelay $0x2  }
0xbc: {  	s31 =	sshll.u32 s1, $0xD;
	s1 =	sshrl.u32 s1, $0x2  }
0xbd: {  	s3 =	sand.u32 $0x4000, s31;
	s1 =	sadd.s32 s1, s30  }
0xbe: {  	s0 =	sor.u32 s3, s0;
	s1 =	sshll.u32 s1, $0x11  }
0xbf: {  	s0 =	sor.u32 s1, s0  }
0xc0: {  	s0 =	sadd.s32 $0x8F2B, s0  }
0xc1: {  	[sflag:s0] =	ssyncadd.remote.s32 $0x1  }
0xc2: {  	_ =	sfence.sel $0xFFFF  }
0xc3: {  	[dreg:$0x0] =	wrdreg $0xFFFFFFFF;
	(pc) =	sbr.abs _section_cstart, $3  }
0xc4: {  	[dreg:$0x1] =	wrdreg $0xFFFFFFFF  }
0xc5: {  	_ =	task.clear_ibuf [dreg:s9], $0x2FFFF;
	_ =	strace $0x9FFFFFFF  }
0xc6: {  	(tm) =	ssettm $0x7FFFFFFF  }
0xc7: {  	_ =	shalt  }
tec
execute0_lowered:
.L_overlay_start_1:
0x0: {  	(tag) =	ssettag $0x1  }
0x1: {  	s1 =	rddreg [dreg:$0x0]  }
0x2: {  	s0 =	rddreg [dreg:$0x3];
	s4 =	simm.s32 $0x0;
	s2 =	srdreg.scid  }
0x3: {  	s6 =	stileid.u32;
	s15 =	simm.s32 $0x1;
	s16 =	simm.s32 $0x2  }
0x4: {  	s17 =	simm.s32 $0x800;
	s18 =	simm.s32 $0xC00;
	s20 =	simm.s32 $0x1C00  }
0x5: {  	s21 =	simm.s32 $0x2400;
	s22 =	simm.s32 $0x2C00;
	s23 =	simm.s32 $0x3400  }
0x6: {  	s24 =	simm.s32 $0x3C00;
	s25 =	simm.s32 $0x4400;
	s28 =	simm.s32 $0x5400  }
0x7: {  	s29 =	simm.s32 $0x5C00;
	s30 =	simm.s32 $0x6400;
	s31 =	simm.s32 $0x6C00  }
0x8: {  	[smem:$0x7FF] =	sst s4;
	s2 =	sand.u32 $0x1, s2;
	s6 =	sshll.u32 s6, $0x6  }
0x9: {  	s0 =	sadd.s32 $0xA00, s0;
	s7 =	sadd.s32 $0x100, s1;
	s8 =	sadd.s32 $0x200, s1  }
0xa: {  	s10 =	sadd.s32 $0x300, s1;
	s3 =	ssub.s32 $0x2, s2;
	s2 =	sshll.u32 s2, $0x5  }
0xb: {  	_ =	strace $0x80000047;
	s5 =	sshrl.u32 s3, $0x1;
	s6 =	sor.u32 s2, s6  }
0xc: {  	s3 =	ssub.s32 s3, s5;
	s9 =	sor.u32 $0x10, s6;
	s2 =	sshll.u32 s6, $0x7  }
0xd: {  	v3 =	vlaneseq.u32;
	s5 =	simm.s32 $0x7C00;
	s26 =	sshll.u32 s9, $0x7;
	s11 =	sadd.s32 s0, s2  }
0xe: {  	v0 =	vimm.s32 $0x0;
	vm0 =	vmmov $0xffff;
	v2 =	vshrl.u32 v3, $0x3;
	s13 =	smax.u32 s3, $0x1;
	s2 =	simm.s32 $0x8400;
	s3 =	simm.s32 $0x0  }
0xf: {  	v1 =	vand.u32 $0x7, v3;
	v3 =	vor.u32 $0x8, v3;
	v2 =	vmul.u32 $0x8, v2;
	s12 =	sadd.s32 s0, s26;
	s26 =	simm.s32 $0x4C00;
	s0 =	simm.s32 $0x7400  }
.LBB2_1:
0x10: {  	s14 =	rddreg [dreg:$0x1]  }
0x11: {  	[tilespmem:s4], [sflag:$0x1] =	stream.linear.gather [hbm4b:s14+s4], $0x400, $0x38;
	[tilespmem:$0x8C00] =	vst v63  }
0x12: {  	s19 =	simm.s32 $0x400;
	s14 =	rddreg [dreg:$0x2]  }
0x13: {  	[tilespmem:s19], [sflag:$0x2] =	stream.linear.gather [hbm4b:s14+s4], $0x400, $0x38;
	[tilespmem:$0x8C00] =	vst v63  }
0x14: {  	_ =	swait.ge [sflag:s15], $0x400  }
0x15: {  	[sflag:s15] =	ssyncset.done $0x0  }
0x16: {  	[sflag:s15] =	ssyncadd.s32 $0xFFFFFC00  }
0x17: {  	_ =	swait.ge [sflag:s16], $0x400  }
0x18: {  	[sflag:s16] =	ssyncset.done $0x0  }
0x19: {  	[sflag:s16] =	ssyncadd.s32 $0xFFFFFC00  }
0x1a: {  	[tilespmem:$0xBE0] =	vst v0  }
0x1b: {  	s19 =	simm.s32 $0x0;
	s14 =	simm.s32 $0x40;
	[tilespmem:$0xBF0] =	vst v0  }
.LBB2_2:
0x1c: {  	p0 =	sne.s32 s14, $0xF40;
	v4 =	vld [tilespmem:s19+$0x400];
	_ =	sdelay $0x2  }
0x1d: {  	v5 =	vld [tilespmem:s19+$0x0]  }
.Ltmp0:
0x1e: {  	(pc) =	sbr.rel @p0 .LBB2_2-.Ltmp0, $2  }
0x1f: {  	_ =	sdelay $0x2  }
0x20: {  	s19 =	sshra.s32 s14, $0x2;
	s14 =	sadd.s32 $0x40, s14;
	[tilespmem:v4+s17+$0x0] =	vst.idx.msk $0xffff, v5  }
0x21: {  	v4 =	vld [tilespmem:s19+$0x400];
	_ =	sdelay $0x2  }
0x22: {  	v5 =	vld [tilespmem:s19+$0x0];
	_ =	sdelay $0x4  }
0x23: {  	[tilespmem:v4+s17+$0x0] =	vst.idx.msk $0xffff, v5  }
0x24: {  	v4 =	vld [tilespmem:$0x7D8];
	_ =	sdelay $0x2  }
0x25: {  	v5 =	vld [tilespmem:$0x3D8];
	_ =	sdelay $0x4  }
0x26: {  	[tilespmem:v4+s17+$0x0] =	vst.idx.msk $0xffff, v5  }
0x27: {  	v4 =	vld [tilespmem:s6+$0x800];
	_ =	sdelay $0x4  }
0x28: {  	v5 =	vshll.u32 v4, $0x3  }
0x29: {  	v4 =	vand.u32 $0x7, v4;
	v5 =	vand.u32 $0xFFFFFFC0, v5  }
0x2a: {  	v4 =	vor.u32 v4, v5  }
0x2b: {  	v5 =	vperm.xlane v4, v1;
	_ =	sdelay $0x1  }
0x2c: {  	v5 =	vadd.s32 v2, v5;
	_ =	sdelay $0x4  }
0x2d: {  	[tilespmem:s18], [sflag:$0x1] =	stream.indirect_vreg.gather [hbm4b:s1+s4], $0x80, v5, vm0, $0xb8;
	[tilespmem:$0x8C00] =	vst v63  }
0x2e: {  	s14 =	simm.s32 $0x1400;
	v4 =	vperm.xlane v4, v3  }
0x2f: {  	[tilespmem:s14], [sflag:$0x1] =	stream.indirect_vreg.gather [hbm4b:s7+s4], $0x80, v5, vm0, $0xb8;
	[tilespmem:$0x8C00] =	vst v63  }
0x30: {  	v4 =	vadd.s32 v2, v4  }
0x31: {  	[tilespmem:s20], [sflag:$0x1] =	stream.indirect_vreg.gather [hbm4b:s8+s4], $0x80, v5, vm0, $0xb8;
	[tilespmem:$0x8C00] =	vst v63  }
0x32: {  	_ = 	snop  }
0x33: {  	[tilespmem:s21], [sflag:$0x1] =	stream.indirect_vreg.gather [hbm4b:s10+s4], $0x80, v5, vm0, $0xb8;
	[tilespmem:$0x8C00] =	vst v63  }
0x34: {  	_ = 	snop  }
0x35: {  	[tilespmem:s22], [sflag:$0x1] =	stream.indirect_vreg.gather [hbm4b:s1+s4], $0x80, v4, vm0, $0xb8;
	[tilespmem:$0x8C00] =	vst v63  }
0x36: {  	_ = 	snop  }
0x37: {  	[tilespmem:s23], [sflag:$0x1] =	stream.indirect_vreg.gather [hbm4b:s7+s4], $0x80, v4, vm0, $0xb8;
	[tilespmem:$0x8C00] =	vst v63  }
0x38: {  	_ = 	snop  }
0x39: {  	[tilespmem:s24], [sflag:$0x1] =	stream.indirect_vreg.gather [hbm4b:s8+s4], $0x80, v4, vm0, $0xb8;
	[tilespmem:$0x8C00] =	vst v63  }
0x3a: {  	_ = 	snop  }
0x3b: {  	[tilespmem:s25], [sflag:$0x1] =	stream.indirect_vreg.gather [hbm4b:s10+s4], $0x80, v4, vm0, $0xb8;
	[tilespmem:$0x8C00] =	vst v63  }
0x3c: {  	v4 =	vld [tilespmem:s9+$0x800];
	_ =	sdelay $0x4  }
0x3d: {  	v5 =	vshll.u32 v4, $0x3  }
0x3e: {  	v4 =	vand.u32 $0x7, v4;
	v5 =	vand.u32 $0xFFFFFFC0, v5  }
0x3f: {  	v4 =	vor.u32 v4, v5  }
0x40: {  	v5 =	vperm.xlane v4, v1;
	_ =	sdelay $0x1  }
0x41: {  	v5 =	vadd.s32 v2, v5;
	_ =	sdelay $0x4  }
0x42: {  	[tilespmem:s26], [sflag:$0x2] =	stream.indirect_vreg.gather [hbm4b:s1+s4], $0x80, v5, vm0, $0xb8;
	[tilespmem:$0x8C00] =	vst v63  }
0x43: {  	v4 =	vperm.xlane v4, v3  }
0x44: {  	[tilespmem:s28], [sflag:$0x2] =	stream.indirect_vreg.gather [hbm4b:s7+s4], $0x80, v5, vm0, $0xb8;
	[tilespmem:$0x8C00] =	vst v63  }
0x45: {  	v4 =	vadd.s32 v2, v4  }
0x46: {  	[tilespmem:s29], [sflag:$0x2] =	stream.indirect_vreg.gather [hbm4b:s8+s4], $0x80, v5, vm0, $0xb8;
	[tilespmem:$0x8C00] =	vst v63  }
0x47: {  	_ = 	snop  }
0x48: {  	[tilespmem:s30], [sflag:$0x2] =	stream.indirect_vreg.gather [hbm4b:s10+s4], $0x80, v5, vm0, $0xb8;
	[tilespmem:$0x8C00] =	vst v63  }
0x49: {  	_ = 	snop  }
0x4a: {  	[tilespmem:s31], [sflag:$0x2] =	stream.indirect_vreg.gather [hbm4b:s1+s4], $0x80, v4, vm0, $0xb8;
	[tilespmem:$0x8C00] =	vst v63  }
0x4b: {  	_ = 	snop  }
0x4c: {  	[tilespmem:s0], [sflag:$0x2] =	stream.indirect_vreg.gather [hbm4b:s7+s4], $0x80, v4, vm0, $0xb8;
	[tilespmem:$0x8C00] =	vst v63  }
0x4d: {  	_ = 	snop  }
0x4e: {  	[tilespmem:s5], [sflag:$0x2] =	stream.indirect_vreg.gather [hbm4b:s8+s4], $0x80, v4, vm0, $0xb8;
	[tilespmem:$0x8C00] =	vst v63  }
0x4f: {  	_ = 	snop  }
0x50: {  	[tilespmem:s2], [sflag:$0x2] =	stream.indirect_vreg.gather [hbm4b:s10+s4], $0x80, v4, vm0, $0xb8;
	[tilespmem:$0x8C00] =	vst v63  }
0x51: {  	_ =	swait.ge [sflag:s15], $0x4000  }
0x52: {  	[sflag:s15] =	ssyncset.done $0x0  }
0x53: {  	[sflag:s15] =	ssyncadd.s32 $0xFFFFC000  }
0x54: {  	[hbm4b:s11+s4] =	stream.linear.scatter [tilespmem:s18], [sflag:$0x1], $0x4000, $0x38;
	[tilespmem:$0x8C00] =	vst v63  }
0x55: {  	_ =	swait.ge [sflag:s16], $0x4000  }
0x56: {  	[sflag:s16] =	ssyncset.done $0x0  }
0x57: {  	s3 =	sadd.s32 $0x1, s3;
	[sflag:s16] =	ssyncadd.s32 $0xFFFFC000  }
0x58: {  	[hbm4b:s12+s4] =	stream.linear.scatter [tilespmem:s26], [sflag:$0x2], $0x4000, $0x38;
	[tilespmem:$0x8C00] =	vst v63  }
0x59: {  	p0 =	sne.s32 s3, s13;
	_ =	swait.ge [sflag:s15], $0x4000  }
.Ltmp1:
0x5a: {  	[sflag:s15] =	ssyncset.done $0x0;
	(pc) =	sbr.rel @p0 .LBB2_1-.Ltmp1, $4  }
0x5b: {  	[sflag:s15] =	ssyncadd.s32 $0xFFFFC000  }
0x5c: {  	_ =	swait.ge [sflag:s16], $0x4000  }
0x5d: {  	[sflag:s16] =	ssyncset.done $0x0  }
0x5e: {  	[sflag:s16] =	ssyncadd.s32 $0xFFFFC000  }
0x5f: {  	_ =	sfence.sel $0x180000  }
0x60: {  	[bflag:$0x0] =	sbarrier.arrive $0xFFFF  }
0x61: {  	_ =	strace $0x90000047  }
0x62: {  	s0 =	stileid.u32;
	[bflag:$0x2] =	sbarrier.arrive $0xFFFF  }
0x63: {  	p0 =	sne.s32 s0, $0x0;
	s0 =	rddreg [dreg:$0x4]  }
0x64: {  	s0 =	sadd.s32 @!p0 $0x100000, s0  }
0x65: {  	[sflag:s0] =	ssyncadd.tile.s32 @!p0 $0x1;
	_ =	shalt  }
.Lfunc_end2:
_tile_overlayer_lowered:
.L_overlay_start_2:
0x66: {  	(tag) =	ssettag $0x2  }
0x67: {  	s0 =	rddreg [dreg:$0x0];
	s2 =	stileid.u32  }
0x68: {  	s1 =	rddreg [dreg:$0x1];
	p0 =	sne.s32 s2, $0x0  }
0x69: {  	s3 =	rddreg [dreg:$0x2];
	[bflag:$0x3] =	sbarrier.arrive $0xFFFF;
	s2 =	simm.s32 @!p0 $0x1C03  }
0x6a: {  	[timem:s3], [sflag:s2] =	dma.local @!p0 [hbm:s0], s1  }
0x6b: {  	s0 =	simm.s32 @!p0 $0x3  }
0x6c: {  	_ =	swait.ge @!p0 [sflag:s0], s1  }
0x6d: {  	s1 =	ssub.s32 @!p0 $0x0, s1;
	[sflag:s0] =	ssyncset.done @!p0 $0x0  }
0x6e: {  	[sflag:s0] =	ssyncadd.s32 @!p0 s1  }
0x6f: {  	[bflag:$0x3] =	sbarrier.arrive $0xFFFF  }
0x70: {  	_ =	shalt  }

</sc_bundles>
